<compile_context>
chip_gen: v7x
topology: tpu7x:2x2x1
jax: 0.10.2.dev20260603
libtpu: 0.0.44.dev20260713+nightly
codegen_flags: <defaults>
</compile_context>

<pallas_src>
import dataclasses
import functools

import jax
import jax.numpy as jnp
from jax import lax
from jax.experimental import pallas as pl
from jax.experimental.pallas import tpu as pltpu
from jax.experimental.pallas import tpu_sc as plsc

N, D, K, A = 20000, 2048, 16, 8
ALPHA = 0.9
BETA = 1.0 - ALPHA
APPLY_PROB = 0.9
NSIZE = 1
L = 16

_COND = True
_R_KN = 13
_R_KA = 1
_R_KNI = 6

_vector_mesh = plsc.VectorSubcoreMesh(core_axis_name="c", subcore_axis_name="s")

_cp = pltpu.CompilerParams()
if "needs_layout_passes" in pltpu.CompilerParams.__dataclass_fields__:
    _cp = dataclasses.replace(_cp, needs_layout_passes=False)


@functools.partial(
    pl.kernel,
    out_type=jax.ShapeDtypeStruct((2, D), jnp.float32),
    mesh=_vector_mesh,
    compiler_params=_cp,
    scratch_types=[
        pltpu.VMEM((1,), jnp.int32),
        pltpu.VMEM((L,), jnp.int32),
        pltpu.VMEM((L,), jnp.int32),
        pltpu.VMEM((1, D), jnp.float32),
        pltpu.VMEM((1, D), jnp.float32),
        pltpu.VMEM((D,), jnp.float32),
        pltpu.VMEM((1, D), jnp.float32),
        pltpu.SemaphoreType.DMA,
        pltpu.SemaphoreType.DMA,
        pltpu.SemaphoreType.DMA,
    ],
)
def _augment_sc(x1_hbm, cell_hbm, coln_hbm, coln2_hbm, colm_hbm, X_hbm, o_hbm,
                cellv, ib0, ib1, xa, xc, x1v, outv, s0, s1, s2):
    core = lax.axis_index("c")
    sub = lax.axis_index("s")
    zeros = jnp.zeros((L,), jnp.int32)

    @pl.when((core == 0) & (sub == 0))
    def _():
        cp_x1 = pltpu.async_copy(x1_hbm, x1v, s2)
        pltpu.sync_copy(cell_hbm, cellv)
        c = plsc.load_gather(cellv, [zeros])
        pltpu.async_copy(coln_hbm.at[c], ib0, s0).wait()
        cp_xa = pltpu.async_copy(X_hbm.at[ib0.at[pl.ds(0, 1)]], xa, s1)
        cp_x1.wait()
        cp_xa.wait()

        @pl.loop(0, D, step=L)
        def _(i):
            sl = pl.ds(i, L)
            outv[0, sl] = ALPHA * x1v[sl] + BETA * xa[0, sl]

        pltpu.sync_copy(outv, o_hbm.at[pl.ds(0, 1)])

    @pl.when((core == 1) & (sub == 0))
    def _():
        pltpu.sync_copy(cell_hbm, cellv)
        c = plsc.load_gather(cellv, [zeros])
        pltpu.async_copy(colm_hbm.at[c], ib0, s0).wait()
        cp_xb = pltpu.async_copy(X_hbm.at[ib0.at[pl.ds(0, 1)]], xa, s1)
        anchor = ib0[pl.ds(0, L)]
        pltpu.async_copy(coln2_hbm.at[anchor], ib1, s0).wait()
        cp_xc = pltpu.async_copy(X_hbm.at[ib1.at[pl.ds(0, 1)]], xc, s2)
        cp_xb.wait()
        cp_xc.wait()

        @pl.loop(0, D, step=L)
        def _(i):
            sl = pl.ds(i, L)
            outv[0, sl] = ALPHA * xa[0, sl] + BETA * xc[0, sl]

        pltpu.sync_copy(outv, o_hbm.at[pl.ds(1, 1)])


def kernel(x1, x2, cell_ids, X, nns_idx, mnn_idx):
    if _COND:
        cell = cell_ids.astype(jnp.int32).reshape(1)
        return _augment_sc(x1, cell, nns_idx.T[_R_KN], nns_idx.T[_R_KNI],
                           mnn_idx.T[_R_KA], X)
    else:
        return jnp.stack([x1, x2])

# --- scband reference (transcript-rebuilt; emitter-appended) ---
"""Pipeline reference for scband-mnn-augment-53541062312427 (READ-ONLY COPY).

The authoritative reference and input builder live on the scoring server;
editing this copy changes nothing except your own understanding.
"""

import jax, jax.numpy as jnp
import numpy as np

N, D, K, A = 20000, 2048, 16, 8
ALPHA = 0.9
APPLY_PROB = 0.9
NSIZE = 1


def setup_inputs(seed: int = 0) -> dict:
    key = jax.random.key(seed)
    k1, k2, k3, k4, k5 = jax.random.split(key, 5)
    # X is the cell-by-gene expression matrix (dense-ified from sparse in the original).
    # Use uniform in (0.05, 1) so geometric interpolation would be well-defined too.
    X = jax.random.uniform(k1, (N, D), dtype=jnp.float32, minval=0.05, maxval=1.0)
    x1 = jax.random.uniform(k2, (D,), dtype=jnp.float32, minval=0.05, maxval=1.0)
    x2 = jax.random.uniform(k3, (D,), dtype=jnp.float32, minval=0.05, maxval=1.0)
    # Dense encodings of the python dicts: nns[cell] -> K intra-batch neighbors,
    # mnn_dict[cell] -> A mutual-nearest-neighbor anchors in the other batch.
    nns_idx = jax.random.randint(k4, (N, K), 0, N).astype(jnp.int32)
    mnn_idx = jax.random.randint(k5, (N, A), 0, N).astype(jnp.int32)
    cell_ids = jnp.int32(1234)
    return {"x1": x1, "x2": x2, "cell_ids": cell_ids, "X": X, "nns_idx": nns_idx, "mnn_idx": mnn_idx}


def _interp(x, x_p, alpha):
    # augment_set = ['int'] -> interpolation op is always chosen (opi == 0)
    return alpha * x + (1.0 - alpha) * x_p


def reference(x1, x2, cell_ids, X, nns_idx, mnn_idx):
    key = jax.random.key(42)
    ks, kn, ka, kni = jax.random.split(key, 4)
    # s = rand(1); apply augmentation when s < apply_thresh
    s = jax.random.uniform(ks, ())

    # ---- augment_intra(view_1, cell_id) ----
    nns = nns_idx[cell_ids]                                   # [K]
    # multinomial(ones(K), nsize=1) without replacement == uniform single pick
    n_intra = jnp.take(nns, jax.random.randint(kn, (NSIZE,), 0, K))  # [1]
    x_n = jnp.take(X, n_intra, axis=0)                        # [1, D]
    v1_aug = _interp(x1, x_n, ALPHA)                          # [1, D] (broadcast)

    # ---- augment_inter(view_2, cell_id) ----
    pos_anchors = mnn_idx[cell_ids]                           # [A]
    anchor_id = pos_anchors[jax.random.randint(ka, (), 0, A)] # scalar
    nns_inter = nns_idx[anchor_id]                            # [K]
    n_inter = jnp.take(nns_inter, jax.random.randint(kni, (NSIZE,), 0, K))  # [1]
    x_p = X[anchor_id]                                        # [D]
    x_p_n = jnp.take(X, n_inter, axis=0)                      # [1, D]
    # note: view_2 itself is NOT used when augmenting (faithful to the original)
    v2_aug = _interp(x_p, x_p_n, ALPHA)                       # [1, D]

    cond = s < APPLY_PROB
    v1 = jnp.where(cond, v1_aug, x1[None, :])
    v2 = jnp.where(cond, v2_aug, x2[None, :])
    # pack the {'x1': ..., 'x2': ...} dict as a single [2, D] array
    return jnp.concatenate([v1, v2], axis=0)

if __name__ == "__main__":
    import jax
    _d = setup_inputs()
    print(jax.jit(kernel)(*tuple(_d.values())))

</pallas_src>

<mosaic_0001>
#map = affine_map<(d0, d1) -> (0)>
#map1 = affine_map<(d0, d1) -> (0, 0)>
module attributes {stable_mosaic.version = 14 : i64} {
  func.func @_augment_sc(%arg0: i32, %arg1: i32, %arg2: memref<2048xf32, #tpu.memory_space<hbm>>, %arg3: memref<1xi32, #tpu.memory_space<hbm>>, %arg4: memref<20000xi32, #tpu.memory_space<hbm>>, %arg5: memref<20000xi32, #tpu.memory_space<hbm>>, %arg6: memref<20000xi32, #tpu.memory_space<hbm>>, %arg7: memref<20000x2048xf32, #tpu.memory_space<hbm>>, %arg8: memref<2x2048xf32, #tpu.memory_space<hbm>>, %arg9: memref<1xi32, #tpu.memory_space<vmem>>, %arg10: memref<16xi32, #tpu.memory_space<vmem>>, %arg11: memref<16xi32, #tpu.memory_space<vmem>>, %arg12: memref<1x2048xf32, #tpu.memory_space<vmem>>, %arg13: memref<1x2048xf32, #tpu.memory_space<vmem>>, %arg14: memref<2048xf32, #tpu.memory_space<vmem>>, %arg15: memref<1x2048xf32, #tpu.memory_space<vmem>>, %arg16: memref<!tpu.dma_semaphore, #tpu.memory_space<semaphore_mem>>, %arg17: memref<!tpu.dma_semaphore, #tpu.memory_space<semaphore_mem>>, %arg18: memref<!tpu.dma_semaphore, #tpu.memory_space<semaphore_mem>>) attributes {dimension_semantics = [#tpu.dimension_semantics<core_parallel>, #tpu.dimension_semantics<subcore_parallel>], iteration_bounds = array<i64: 2, 16>, scalar_prefetch = 0 : i64, scratch_operands = 10 : i64, tpu.core_type = #tpu.core_type<sc_vector_subcore>, window_params = [{transform_indices = #map}, {transform_indices = #map}, {transform_indices = #map}, {transform_indices = #map}, {transform_indices = #map}, {transform_indices = #map1}, {transform_indices = #map1}]} {
    %broadcast_in_dim3A = arith.constant 0 : i32
    %broadcast_in_dim3A_0 = vector.broadcast %broadcast_in_dim3A : i32 to vector<16xi32>
    %eq3A = arith.constant 0 : i32
    %eq3A_1 = arith.cmpi eq, %arg0, %eq3A : i32
    %eq3A_2 = arith.constant 0 : i32
    %eq3A_3 = arith.cmpi eq, %arg1, %eq3A_2 : i32
    %and3A = arith.andi %eq3A_1, %eq3A_3 : i1
    %convert_element_type3A = arith.extui %and3A : i1 to i32
    %cond3A = arith.constant 0 : i32
    %cond3A_4 = arith.cmpi ne, %convert_element_type3A, %cond3A : i32
    scf.if %cond3A_4 {
      tpu.enqueue_dma source(%arg2 : memref<2048xf32, #tpu.memory_space<hbm>>) target(%arg14 : memref<2048xf32, #tpu.memory_space<vmem>>) target_semaphore(%arg18 : memref<!tpu.dma_semaphore, #tpu.memory_space<semaphore_mem>>)
      "tpu.region"() ({
        %run_scoped3A = tpu.sem_alloc : memref<!tpu.dma_semaphore, #tpu.memory_space<semaphore_mem>>
        tpu.enqueue_dma source(%arg3 : memref<1xi32, #tpu.memory_space<hbm>>) target(%arg9 : memref<1xi32, #tpu.memory_space<vmem>>) target_semaphore(%run_scoped3A : memref<!tpu.dma_semaphore, #tpu.memory_space<semaphore_mem>>)
        tpu.wait_dma2 semaphore(%run_scoped3A : memref<!tpu.dma_semaphore, #tpu.memory_space<semaphore_mem>>) src(%arg3 : memref<1xi32, #tpu.memory_space<hbm>>) dst(%arg9 : memref<1xi32, #tpu.memory_space<vmem>>)
        tpu.yield
      }) : () -> ()
      %gather3A = tpu.vector_load_idx %arg9[%broadcast_in_dim3A_0] : memref<1xi32, #tpu.memory_space<vmem>>[vector<16xi32>], vector<16xi32>,
      %dma_start3A = arith.constant 0 : i32
      %dma_start3A_13 = tpu.memref_slice %arg4[%dma_start3A] : memref<20000xi32, #tpu.memory_space<hbm>> -> memref<20000xi32, #tpu.memory_space<hbm>>
      tpu.enqueue_indirect_dma source(%dma_start3A_13 : memref<20000xi32, #tpu.memory_space<hbm>>) target(%arg10 : memref<16xi32, #tpu.memory_space<vmem>>) offsets(%gather3A : vector<16xi32>) semaphore(%arg16 : memref<!tpu.dma_semaphore, #tpu.memory_space<semaphore_mem>>)
      %dma_wait3A = arith.constant 0 : i32
      %dma_wait3A_14 = tpu.memref_slice %arg4[%dma_wait3A] : memref<20000xi32, #tpu.memory_space<hbm>> -> memref<20000xi32, #tpu.memory_space<hbm>>
      tpu.wait_indirect_dma semaphore(%arg16 : memref<!tpu.dma_semaphore, #tpu.memory_space<semaphore_mem>>) src(%dma_wait3A_14 : memref<20000xi32, #tpu.memory_space<hbm>>) dst(%arg10 : memref<16xi32, #tpu.memory_space<vmem>>)
      %dma_start3A_15 = arith.constant 0 : i32
      %dma_start3A_16 = tpu.memref_slice %arg10[%dma_start3A_15] : memref<16xi32, #tpu.memory_space<vmem>> -> memref<1xi32, #tpu.memory_space<vmem>>
      %dma_start3A_17 = arith.constant 0 : i32
      %dma_start3A_18 = arith.constant 0 : i32
      %dma_start3A_19 = tpu.memref_slice %arg7[%dma_start3A_17, %dma_start3A_18] : memref<20000x2048xf32, #tpu.memory_space<hbm>> -> memref<20000x2048xf32, #tpu.memory_space<hbm>>
      tpu.enqueue_indirect_dma source(%dma_start3A_19 : memref<20000x2048xf32, #tpu.memory_space<hbm>>) target(%arg12 : memref<1x2048xf32, #tpu.memory_space<vmem>>) offsets(%dma_start3A_16 : memref<1xi32, #tpu.memory_space<vmem>>) semaphore(%arg17 : memref<!tpu.dma_semaphore, #tpu.memory_space<semaphore_mem>>)
      tpu.wait_dma2 semaphore(%arg18 : memref<!tpu.dma_semaphore, #tpu.memory_space<semaphore_mem>>) src(%arg2 : memref<2048xf32, #tpu.memory_space<hbm>>) dst(%arg14 : memref<2048xf32, #tpu.memory_space<vmem>>)
      %dma_wait3A_20 = arith.constant 0 : i32
      %dma_wait3A_21 = tpu.memref_slice %arg10[%dma_wait3A_20] : memref<16xi32, #tpu.memory_space<vmem>> -> memref<1xi32, #tpu.memory_space<vmem>>
      %dma_wait3A_22 = arith.constant 0 : i32
      %dma_wait3A_23 = arith.constant 0 : i32
      %dma_wait3A_24 = tpu.memref_slice %arg7[%dma_wait3A_22, %dma_wait3A_23] : memref<20000x2048xf32, #tpu.memory_space<hbm>> -> memref<20000x2048xf32, #tpu.memory_space<hbm>>
      tpu.wait_indirect_dma semaphore(%arg17 : memref<!tpu.dma_semaphore, #tpu.memory_space<semaphore_mem>>) src(%dma_wait3A_24 : memref<20000x2048xf32, #tpu.memory_space<hbm>>) dst(%arg12 : memref<1x2048xf32, #tpu.memory_space<vmem>>)
      %scan3A = arith.constant 0 : i32
      %scan3A_25 = arith.constant 128 : i32
      %scan3A_26 = arith.addi %scan3A, %scan3A_25 : i32
      %scan3A_27 = arith.constant 1 : i32
      scf.for %scan3A_29 = %scan3A to %scan3A_26 step %scan3A_27  : i32 {
        %mul3A = arith.constant 16 : i32
        %mul3A_30 = arith.muli %scan3A_29, %mul3A : i32
        %add3A = arith.constant 0 : i32
        %add3A_31 = arith.addi %add3A, %mul3A_30 : i32
        %get3A = arith.index_cast %add3A_31 : i32 to index
        %get3A_32 = tpu.vector_load %arg14[%get3A] {strides = array<i32>} : memref<2048xf32, #tpu.memory_space<vmem>>, vector<16xf32>,
        %mul3A_33 = arith.constant 0.899999976 : f32
        %mul3A_34 = vector.broadcast %mul3A_33 : f32 to vector<16xf32>
        %mul3A_35 = arith.mulf %mul3A_34, %get3A_32 : vector<16xf32>
        %get3A_36 = arith.constant 0 : i32
        %get3A_37 = arith.index_cast %get3A_36 : i32 to index
        %get3A_38 = arith.index_cast %add3A_31 : i32 to index
        %get3A_39 = tpu.vector_load %arg12[%get3A_37, %get3A_38] {strides = array<i32>} : memref<1x2048xf32, #tpu.memory_space<vmem>>, vector<16xf32>,
        %mul3A_40 = arith.constant 1.000000e-01 : f32
        %mul3A_41 = vector.broadcast %mul3A_40 : f32 to vector<16xf32>
        %mul3A_42 = arith.mulf %mul3A_41, %get3A_39 : vector<16xf32>
        %add3A_43 = arith.addf %mul3A_35, %mul3A_42 : vector<16xf32>
        %swap3A = arith.constant 0 : i32
        %swap3A_44 = arith.index_cast %swap3A : i32 to index
        %swap3A_45 = arith.index_cast %add3A_31 : i32 to index
        %swap3A_46 = tpu.vector_load %arg15[%swap3A_44, %swap3A_45] {strides = array<i32>} : memref<1x2048xf32, #tpu.memory_space<vmem>>, vector<16xf32>,
        tpu.vector_store %arg15[%swap3A_44, %swap3A_45], %add3A_43 {strides = array<i32>} : memref<1x2048xf32, #tpu.memory_space<vmem>>, vector<16xf32>,
      }
      %scan3A_28 = arith.constant 128 : i32
      "tpu.region"() ({
        %run_scoped3A = tpu.sem_alloc : memref<!tpu.dma_semaphore, #tpu.memory_space<semaphore_mem>>
        %dma_start3A_29 = arith.constant 0 : i32
        %dma_start3A_30 = arith.constant 0 : i32
        %dma_start3A_31 = tpu.memref_slice %arg8[%dma_start3A_29, %dma_start3A_30] : memref<2x2048xf32, #tpu.memory_space<hbm>> -> memref<1x2048xf32, #tpu.memory_space<hbm>>
        %dma_start3A_32 = arith.constant 0 : i32
        %dma_start3A_33 = arith.constant 0 : i32
        %dma_start3A_34 = tpu.memref_slice %arg8[%dma_start3A_32, %dma_start3A_33] : memref<2x2048xf32, #tpu.memory_space<hbm>> -> memref<1x2048xf32, #tpu.memory_space<hbm>>
        tpu.enqueue_dma source(%arg15 : memref<1x2048xf32, #tpu.memory_space<vmem>>) target(%dma_start3A_34 : memref<1x2048xf32, #tpu.memory_space<hbm>>) target_semaphore(%run_scoped3A : memref<!tpu.dma_semaphore, #tpu.memory_space<semaphore_mem>>)
        %dma_wait3A_35 = arith.constant 0 : i32
        %dma_wait3A_36 = arith.constant 0 : i32
        %dma_wait3A_37 = tpu.memref_slice %arg8[%dma_wait3A_35, %dma_wait3A_36] : memref<2x2048xf32, #tpu.memory_space<hbm>> -> memref<1x2048xf32, #tpu.memory_space<hbm>>
        %dma_wait3A_38 = arith.constant 0 : i32
        %dma_wait3A_39 = arith.constant 0 : i32
        %dma_wait3A_40 = tpu.memref_slice %arg8[%dma_wait3A_38, %dma_wait3A_39] : memref<2x2048xf32, #tpu.memory_space<hbm>> -> memref<1x2048xf32, #tpu.memory_space<hbm>>
        tpu.wait_dma2 semaphore(%run_scoped3A : memref<!tpu.dma_semaphore, #tpu.memory_space<semaphore_mem>>) src(%arg15 : memref<1x2048xf32, #tpu.memory_space<vmem>>) dst(%dma_wait3A_40 : memref<1x2048xf32, #tpu.memory_space<hbm>>)
        tpu.yield
      }) : () -> ()
    } else {
    }
    %eq3A_5 = arith.constant 1 : i32
    %eq3A_6 = arith.cmpi eq, %arg0, %eq3A_5 : i32
    %eq3A_7 = arith.constant 0 : i32
    %eq3A_8 = arith.cmpi eq, %arg1, %eq3A_7 : i32
    %and3A_9 = arith.andi %eq3A_6, %eq3A_8 : i1
    %convert_element_type3A_10 = arith.extui %and3A_9 : i1 to i32
    %cond3A_11 = arith.constant 0 : i32
    %cond3A_12 = arith.cmpi ne, %convert_element_type3A_10, %cond3A_11 : i32
    scf.if %cond3A_12 {
      "tpu.region"() ({
        %run_scoped3A = tpu.sem_alloc : memref<!tpu.dma_semaphore, #tpu.memory_space<semaphore_mem>>
        tpu.enqueue_dma source(%arg3 : memref<1xi32, #tpu.memory_space<hbm>>) target(%arg9 : memref<1xi32, #tpu.memory_space<vmem>>) target_semaphore(%run_scoped3A : memref<!tpu.dma_semaphore, #tpu.memory_space<semaphore_mem>>)
        tpu.wait_dma2 semaphore(%run_scoped3A : memref<!tpu.dma_semaphore, #tpu.memory_space<semaphore_mem>>) src(%arg3 : memref<1xi32, #tpu.memory_space<hbm>>) dst(%arg9 : memref<1xi32, #tpu.memory_space<vmem>>)
        tpu.yield
      }) : () -> ()
      %gather3A = tpu.vector_load_idx %arg9[%broadcast_in_dim3A_0] : memref<1xi32, #tpu.memory_space<vmem>>[vector<16xi32>], vector<16xi32>,
      %dma_start3A = arith.constant 0 : i32
      %dma_start3A_13 = tpu.memref_slice %arg6[%dma_start3A] : memref<20000xi32, #tpu.memory_space<hbm>> -> memref<20000xi32, #tpu.memory_space<hbm>>
      tpu.enqueue_indirect_dma source(%dma_start3A_13 : memref<20000xi32, #tpu.memory_space<hbm>>) target(%arg10 : memref<16xi32, #tpu.memory_space<vmem>>) offsets(%gather3A : vector<16xi32>) semaphore(%arg16 : memref<!tpu.dma_semaphore, #tpu.memory_space<semaphore_mem>>)
      %dma_wait3A = arith.constant 0 : i32
      %dma_wait3A_14 = tpu.memref_slice %arg6[%dma_wait3A] : memref<20000xi32, #tpu.memory_space<hbm>> -> memref<20000xi32, #tpu.memory_space<hbm>>
      tpu.wait_indirect_dma semaphore(%arg16 : memref<!tpu.dma_semaphore, #tpu.memory_space<semaphore_mem>>) src(%dma_wait3A_14 : memref<20000xi32, #tpu.memory_space<hbm>>) dst(%arg10 : memref<16xi32, #tpu.memory_space<vmem>>)
      %dma_start3A_15 = arith.constant 0 : i32
      %dma_start3A_16 = tpu.memref_slice %arg10[%dma_start3A_15] : memref<16xi32, #tpu.memory_space<vmem>> -> memref<1xi32, #tpu.memory_space<vmem>>
      %dma_start3A_17 = arith.constant 0 : i32
      %dma_start3A_18 = arith.constant 0 : i32
      %dma_start3A_19 = tpu.memref_slice %arg7[%dma_start3A_17, %dma_start3A_18] : memref<20000x2048xf32, #tpu.memory_space<hbm>> -> memref<20000x2048xf32, #tpu.memory_space<hbm>>
      tpu.enqueue_indirect_dma source(%dma_start3A_19 : memref<20000x2048xf32, #tpu.memory_space<hbm>>) target(%arg12 : memref<1x2048xf32, #tpu.memory_space<vmem>>) offsets(%dma_start3A_16 : memref<1xi32, #tpu.memory_space<vmem>>) semaphore(%arg17 : memref<!tpu.dma_semaphore, #tpu.memory_space<semaphore_mem>>)
      %get3A = arith.constant 0 : index
      %get3A_20 = tpu.vector_load %arg10[%get3A] {strides = array<i32>} : memref<16xi32, #tpu.memory_space<vmem>>, vector<16xi32>,
      %dma_start3A_21 = arith.constant 0 : i32
      %dma_start3A_22 = tpu.memref_slice %arg5[%dma_start3A_21] : memref<20000xi32, #tpu.memory_space<hbm>> -> memref<20000xi32, #tpu.memory_space<hbm>>
      tpu.enqueue_indirect_dma source(%dma_start3A_22 : memref<20000xi32, #tpu.memory_space<hbm>>) target(%arg11 : memref<16xi32, #tpu.memory_space<vmem>>) offsets(%get3A_20 : vector<16xi32>) semaphore(%arg16 : memref<!tpu.dma_semaphore, #tpu.memory_space<semaphore_mem>>)
      %dma_wait3A_23 = arith.constant 0 : i32
      %dma_wait3A_24 = tpu.memref_slice %arg5[%dma_wait3A_23] : memref<20000xi32, #tpu.memory_space<hbm>> -> memref<20000xi32, #tpu.memory_space<hbm>>
      tpu.wait_indirect_dma semaphore(%arg16 : memref<!tpu.dma_semaphore, #tpu.memory_space<semaphore_mem>>) src(%dma_wait3A_24 : memref<20000xi32, #tpu.memory_space<hbm>>) dst(%arg11 : memref<16xi32, #tpu.memory_space<vmem>>)
      %dma_start3A_25 = arith.constant 0 : i32
      %dma_start3A_26 = tpu.memref_slice %arg11[%dma_start3A_25] : memref<16xi32, #tpu.memory_space<vmem>> -> memref<1xi32, #tpu.memory_space<vmem>>
      %dma_start3A_27 = arith.constant 0 : i32
      %dma_start3A_28 = arith.constant 0 : i32
      %dma_start3A_29 = tpu.memref_slice %arg7[%dma_start3A_27, %dma_start3A_28] : memref<20000x2048xf32, #tpu.memory_space<hbm>> -> memref<20000x2048xf32, #tpu.memory_space<hbm>>
      tpu.enqueue_indirect_dma source(%dma_start3A_29 : memref<20000x2048xf32, #tpu.memory_space<hbm>>) target(%arg13 : memref<1x2048xf32, #tpu.memory_space<vmem>>) offsets(%dma_start3A_26 : memref<1xi32, #tpu.memory_space<vmem>>) semaphore(%arg18 : memref<!tpu.dma_semaphore, #tpu.memory_space<semaphore_mem>>)
      %dma_wait3A_30 = arith.constant 0 : i32
      %dma_wait3A_31 = tpu.memref_slice %arg10[%dma_wait3A_30] : memref<16xi32, #tpu.memory_space<vmem>> -> memref<1xi32, #tpu.memory_space<vmem>>
      %dma_wait3A_32 = arith.constant 0 : i32
      %dma_wait3A_33 = arith.constant 0 : i32
      %dma_wait3A_34 = tpu.memref_slice %arg7[%dma_wait3A_32, %dma_wait3A_33] : memref<20000x2048xf32, #tpu.memory_space<hbm>> -> memref<20000x2048xf32, #tpu.memory_space<hbm>>
      tpu.wait_indirect_dma semaphore(%arg17 : memref<!tpu.dma_semaphore, #tpu.memory_space<semaphore_mem>>) src(%dma_wait3A_34 : memref<20000x2048xf32, #tpu.memory_space<hbm>>) dst(%arg12 : memref<1x2048xf32, #tpu.memory_space<vmem>>)
      %dma_wait3A_35 = arith.constant 0 : i32
      %dma_wait3A_36 = tpu.memref_slice %arg11[%dma_wait3A_35] : memref<16xi32, #tpu.memory_space<vmem>> -> memref<1xi32, #tpu.memory_space<vmem>>
      %dma_wait3A_37 = arith.constant 0 : i32
      %dma_wait3A_38 = arith.constant 0 : i32
      %dma_wait3A_39 = tpu.memref_slice %arg7[%dma_wait3A_37, %dma_wait3A_38] : memref<20000x2048xf32, #tpu.memory_space<hbm>> -> memref<20000x2048xf32, #tpu.memory_space<hbm>>
      tpu.wait_indirect_dma semaphore(%arg18 : memref<!tpu.dma_semaphore, #tpu.memory_space<semaphore_mem>>) src(%dma_wait3A_39 : memref<20000x2048xf32, #tpu.memory_space<hbm>>) dst(%arg13 : memref<1x2048xf32, #tpu.memory_space<vmem>>)
      %scan3A = arith.constant 0 : i32
      %scan3A_40 = arith.constant 128 : i32
      %scan3A_41 = arith.addi %scan3A, %scan3A_40 : i32
      %scan3A_42 = arith.constant 1 : i32
      scf.for %scan3A_44 = %scan3A to %scan3A_41 step %scan3A_42  : i32 {
        %mul3A = arith.constant 16 : i32
        %mul3A_45 = arith.muli %scan3A_44, %mul3A : i32
        %add3A = arith.constant 0 : i32
        %add3A_46 = arith.addi %add3A, %mul3A_45 : i32
        %get3A_47 = arith.constant 0 : i32
        %get3A_48 = arith.index_cast %get3A_47 : i32 to index
        %get3A_49 = arith.index_cast %add3A_46 : i32 to index
        %get3A_50 = tpu.vector_load %arg12[%get3A_48, %get3A_49] {strides = array<i32>} : memref<1x2048xf32, #tpu.memory_space<vmem>>, vector<16xf32>,
        %mul3A_51 = arith.constant 0.899999976 : f32
        %mul3A_52 = vector.broadcast %mul3A_51 : f32 to vector<16xf32>
        %mul3A_53 = arith.mulf %mul3A_52, %get3A_50 : vector<16xf32>
        %get3A_54 = arith.constant 0 : i32
        %get3A_55 = arith.index_cast %get3A_54 : i32 to index
        %get3A_56 = arith.index_cast %add3A_46 : i32 to index
        %get3A_57 = tpu.vector_load %arg13[%get3A_55, %get3A_56] {strides = array<i32>} : memref<1x2048xf32, #tpu.memory_space<vmem>>, vector<16xf32>,
        %mul3A_58 = arith.constant 1.000000e-01 : f32
        %mul3A_59 = vector.broadcast %mul3A_58 : f32 to vector<16xf32>
        %mul3A_60 = arith.mulf %mul3A_59, %get3A_57 : vector<16xf32>
        %add3A_61 = arith.addf %mul3A_53, %mul3A_60 : vector<16xf32>
        %swap3A = arith.constant 0 : i32
        %swap3A_62 = arith.index_cast %swap3A : i32 to index
        %swap3A_63 = arith.index_cast %add3A_46 : i32 to index
        %swap3A_64 = tpu.vector_load %arg15[%swap3A_62, %swap3A_63] {strides = array<i32>} : memref<1x2048xf32, #tpu.memory_space<vmem>>, vector<16xf32>,
        tpu.vector_store %arg15[%swap3A_62, %swap3A_63], %add3A_61 {strides = array<i32>} : memref<1x2048xf32, #tpu.memory_space<vmem>>, vector<16xf32>,
      }
      %scan3A_43 = arith.constant 128 : i32
      "tpu.region"() ({
        %run_scoped3A = tpu.sem_alloc : memref<!tpu.dma_semaphore, #tpu.memory_space<semaphore_mem>>
        %dma_start3A_44 = arith.constant 1 : i32
        %dma_start3A_45 = arith.constant 0 : i32
        %dma_start3A_46 = tpu.memref_slice %arg8[%dma_start3A_44, %dma_start3A_45] : memref<2x2048xf32, #tpu.memory_space<hbm>> -> memref<1x2048xf32, #tpu.memory_space<hbm>>
        %dma_start3A_47 = arith.constant 1 : i32
        %dma_start3A_48 = arith.constant 0 : i32
        %dma_start3A_49 = tpu.memref_slice %arg8[%dma_start3A_47, %dma_start3A_48] : memref<2x2048xf32, #tpu.memory_space<hbm>> -> memref<1x2048xf32, #tpu.memory_space<hbm>>
        tpu.enqueue_dma source(%arg15 : memref<1x2048xf32, #tpu.memory_space<vmem>>) target(%dma_start3A_49 : memref<1x2048xf32, #tpu.memory_space<hbm>>) target_semaphore(%run_scoped3A : memref<!tpu.dma_semaphore, #tpu.memory_space<semaphore_mem>>)
        %dma_wait3A_50 = arith.constant 1 : i32
        %dma_wait3A_51 = arith.constant 0 : i32
        %dma_wait3A_52 = tpu.memref_slice %arg8[%dma_wait3A_50, %dma_wait3A_51] : memref<2x2048xf32, #tpu.memory_space<hbm>> -> memref<1x2048xf32, #tpu.memory_space<hbm>>
        %dma_wait3A_53 = arith.constant 1 : i32
        %dma_wait3A_54 = arith.constant 0 : i32
        %dma_wait3A_55 = tpu.memref_slice %arg8[%dma_wait3A_53, %dma_wait3A_54] : memref<2x2048xf32, #tpu.memory_space<hbm>> -> memref<1x2048xf32, #tpu.memory_space<hbm>>
        tpu.wait_dma2 semaphore(%run_scoped3A : memref<!tpu.dma_semaphore, #tpu.memory_space<semaphore_mem>>) src(%arg15 : memref<1x2048xf32, #tpu.memory_space<vmem>>) dst(%dma_wait3A_55 : memref<1x2048xf32, #tpu.memory_space<hbm>>)
        tpu.yield
      }) : () -> ()
    } else {
    }
    return
  }
}

</mosaic_0001>

<sc_bundles>
// kernel: kernel.3.cloned.1.call-start
scs
__scs_entry_jumppad:
0x0: {  	(pc) =	sbr.rel $0x88, $3  }
0x1: {  	(tag) =	ssettag $0x0;
	lr =	simm.s32 $0x1  }
0x2: {  	[smem:$0x3F9C] =	sst lr;
	_ =	strace $0xD0000000  }
0x3: {  	_ = 	snop  }
0x4: {  	_ = 	snop  }
0x5: {  	_ = 	snop  }
0x6: {  	_ = 	snop  }
0x7: {  	_ = 	snop  }
__scs_overlays_trampoline_lowered:
0x8: {  	[smem:$0x3FAB] =	sst s0  }
0x9: {  	[smem:$0x3FAC] =	sst s1  }
0xa: {  	[smem:$0x3FAD] =	sst s2  }
0xb: {  	[smem:$0x3FAE] =	sst s3  }
0xc: {  	[smem:$0x3FAF] =	sst s4  }
0xd: {  	[smem:$0x3FB0] =	sst s5  }
0xe: {  	[smem:$0x3FB1] =	sst s6  }
0xf: {  	[smem:$0x3FB2] =	sst s7  }
0x10: {  	[smem:$0x3FB3] =	sst s8  }
0x11: {  	[smem:$0x3FB4] =	sst s9;
	s0 =	simm.s32 @!p0 $0x0  }
0x12: {  	s1 =	sld [smem:$0x3F9A];
	s0 =	simm.s32 @p0 $0x1  }
0x13: {  	[smem:$0x3FB5] =	sst s0;
	s0 =	simm.s32 @!p1 $0x0  }
0x14: {  	s2 =	sld [smem:$0x3F99];
	s0 =	simm.s32 @p1 $0x1  }
0x15: {  	[smem:$0x3FB6] =	sst s0;
	s0 =	simm.s32 @!p2 $0x0  }
0x16: {  	s3 =	sld [smem:$0x3FDB];
	s0 =	simm.s32 @p2 $0x1  }
0x17: {  	s4 =	simm.s32 $0x1BF5;
	[smem:$0x3FB8] =	sst s0  }
0x18: {  	s0 =	sld [smem:$0x3F9B];
	_ =	swait.ge [sflag:s4], $0x0  }
0x19: {  	s7 =	sld [smem:$0x3F9C]  }
0x1a: {  	s8 =	sadd.s32 $0xFFFFE003, lr  }
0x1b: {  	s9 =	sadd.s32 $0xFFFFFEF7, lr;
	s5 =	simm.s32 $0xFFFFFFFF;
	p2 =	slt.u32 s8, $0xFFFFF086  }
0x1c: {  	p1 =	slt.u32 s9, $0xF7A;
	s5 =	simm.s32 @!p2 $0x0  }
0x1d: {  	s5 =	simm.s32 @p1 $0x1;
	p0 =	seq.s32 s7, s2  }
0x1e: {  	s7 =	smul.u32 @!p0 $0xF7A, s2;
	p2 =	seq.s32 @!p0 s5, $0x0  }
0x1f: {  	s9 =	smul.u32 $0xF7A, s1;
	s8 =	simm.s32 @!p0 $0x1BF5;
	p2 =	por !p2, p0  }
0x20: {  	[sflag:s8] =	ssyncset.s32 @!p0 $0xFFFFF086;
	s6 =	sadd.s32 @!p0 s3, s7;
	s7 =	simm.s32 @!p0 $0x108  }
0x21: {  	s3 =	sadd.s32 s3, s9;
	s6 =	sadd.s32 @!p0 $0x88, s6;
	s7 =	simm.s32 @p2 $0x1082  }
0x22: {  	[simem:s7], [sflag:s8] =	dma.local @!p0 [hbm:s6], $0xF7A  }
0x23: {  	s9 =	sor.u32 $0xD0000000, s2;
	s6 =	simm.s32 $0x108;
	_ =	swait.ge @!p0 [sflag:s8], $0x0  }
0x24: {  	s3 =	sadd.s32 $0x88, s3;
	s6 =	simm.s32 @!p1 $0x1082;
	[sflag:s4] =	ssyncset.s32 $0xFFFFF086  }
0x25: {  	[simem:s6], [sflag:s4] =	dma.local [hbm:s3], $0xF7A  }
0x26: {  	[smem:$0x3F9C] =	sst s1;
	(tag) =	ssettag s2;
	_ =	strace s9  }
0x27: {  	s1 =	sld [smem:$0x3FAC]  }
0x28: {  	s2 =	sld [smem:$0x3FAD]  }
0x29: {  	s4 =	sld [smem:$0x3FAF]  }
0x2a: {  	p0 =	seq.s32 s5, $0x0;
	s5 =	sld [smem:$0x3FB0]  }
0x2b: {  	s6 =	sld [smem:$0x3FB1]  }
0x2c: {  	s7 =	sld [smem:$0x3FB2]  }
0x2d: {  	s3 =	simm.s32 $0x108;
	s8 =	sld [smem:$0x3FB3]  }
0x2e: {  	s3 =	simm.s32 @!p0 $0x1082;
	s9 =	sld [smem:$0x3FB4]  }
0x2f: {  	lr =	sadd.s32 s0, s3;
	s0 =	sld [smem:$0x3FAB]  }
0x30: {  	s3 =	sld [smem:$0x3FAE]  }
0x31: {  	[smem:$0x3FB7] =	sst s10  }
0x32: {  	s10 =	sld [smem:$0x3FB5];
	_ =	sdelay $0x3  }
0x33: {  	p0 =	seq.s32 s10, $0x1;
	s10 =	sld [smem:$0x3FB7];
	_ =	sdelay $0x3  }
0x34: {  	[smem:$0x3FB7] =	sst s10  }
0x35: {  	s10 =	sld [smem:$0x3FB6];
	_ =	sdelay $0x3  }
0x36: {  	p1 =	seq.s32 s10, $0x1;
	s10 =	sld [smem:$0x3FB7];
	_ =	sdelay $0x3  }
0x37: {  	[smem:$0x3FB7] =	sst s10  }
0x38: {  	s10 =	sld [smem:$0x3FB8]  }
0x39: {  	_ = 	snop;
	(pc) =	sbr.ind lr, $3  }
0x3a: {  	_ = 	snop  }
0x3b: {  	_ = 	snop  }
0x3c: {  	p2 =	seq.s32 s10, $0x1;
	s10 =	sld [smem:$0x3FB7]  }
0x3d: {  	_ =	shalt  }
0x3e: {  	_ =	shalt  }
0x3f: {  	_ =	shalt  }
0x40: {  	_ =	shalt  }
0x41: {  	_ =	shalt  }
0x42: {  	_ =	shalt  }
0x43: {  	_ =	shalt  }
0x44: {  	_ =	shalt  }
0x45: {  	_ =	shalt  }
0x46: {  	_ =	shalt  }
0x47: {  	_ =	shalt  }
0x48: {  	_ =	shalt  }
0x49: {  	_ =	shalt  }
0x4a: {  	_ =	shalt  }
0x4b: {  	_ =	shalt  }
0x4c: {  	_ =	shalt  }
0x4d: {  	_ =	shalt  }
0x4e: {  	_ =	shalt  }
0x4f: {  	_ =	shalt  }
0x50: {  	_ =	shalt  }
0x51: {  	_ =	shalt  }
0x52: {  	_ =	shalt  }
0x53: {  	_ =	shalt  }
0x54: {  	_ =	shalt  }
0x55: {  	_ =	shalt  }
0x56: {  	_ =	shalt  }
0x57: {  	_ =	shalt  }
0x58: {  	_ =	shalt  }
0x59: {  	_ =	shalt  }
0x5a: {  	_ =	shalt  }
0x5b: {  	_ =	shalt  }
0x5c: {  	_ =	shalt  }
0x5d: {  	_ =	shalt  }
0x5e: {  	_ =	shalt  }
0x5f: {  	_ =	shalt  }
0x60: {  	_ =	shalt  }
0x61: {  	_ =	shalt  }
0x62: {  	_ =	shalt  }
0x63: {  	_ =	shalt  }
0x64: {  	_ =	shalt  }
0x65: {  	_ =	shalt  }
0x66: {  	_ =	shalt  }
0x67: {  	_ =	shalt  }
0x68: {  	_ =	shalt  }
0x69: {  	_ =	shalt  }
0x6a: {  	_ =	shalt  }
0x6b: {  	_ =	shalt  }
0x6c: {  	_ =	shalt  }
0x6d: {  	_ =	shalt  }
0x6e: {  	_ =	shalt  }
0x6f: {  	_ =	shalt  }
0x70: {  	_ =	shalt  }
0x71: {  	_ =	shalt  }
0x72: {  	_ =	shalt  }
0x73: {  	_ =	shalt  }
0x74: {  	_ =	shalt  }
0x75: {  	_ =	shalt  }
0x76: {  	_ =	shalt  }
0x77: {  	_ =	shalt  }
0x78: {  	_ =	shalt  }
0x79: {  	_ =	shalt  }
0x7a: {  	_ =	shalt  }
0x7b: {  	_ =	shalt  }
0x7c: {  	_ =	shalt  }
0x7d: {  	_ =	shalt  }
0x7e: {  	_ =	shalt  }
0x7f: {  	_ =	shalt  }
0x80: {  	_ =	shalt  }
0x81: {  	_ =	shalt  }
0x82: {  	_ =	shalt  }
0x83: {  	_ =	shalt  }
0x84: {  	_ =	shalt  }
0x85: {  	_ =	shalt  }
0x86: {  	_ =	shalt  }
0x87: {  	_ =	shalt  }
.Lfunc_end0:
.L_simem_size_0:
called_computation_lowered:
.L_overlay_start_0:
0x88: {  	s2 =	sld [smem:$0x3FD9]  }
0x89: {  	s3 =	sld [smem:$0x3FFE];
	_ =	sdelay $0x1  }
0x8a: {  	s1 =	srdreg.scid  }
0x8b: {  	s0 =	sand.u32 $0x1, s1  }
0x8c: {  	s17 =	sshll.u32 s0, $0xA;
	s2 =	sadd.s32 s3, s2  }
0x8d: {  	s2 =	sadd.s32 s2, s17  }
0x8e: {  	[smem:$0x3FC3] =	sst s2  }
0x8f: {  	_ = 	snop  }
0x90: {  	s2 =	sld [smem:$0x3FC9]  }
0x91: {  	s18 =	sld [smem:$0x3FC8]  }
0x92: {  	s4 =	sld [smem:$0x3FC7]  }
0x93: {  	s5 =	sld [smem:$0x3FD0];
	(tm) =	ssettm $0x1  }
0x94: {  	s6 =	sld [smem:$0x3FFB];
	_ =	sdelay $0x3  }
0x95: {  	_ =	strace s6  }
0x96: {  	s6 =	sld [smem:$0x3FFC];
	_ =	sdelay $0x3  }
0x97: {  	_ =	strace s6  }
0x98: {  	s6 =	sld [smem:$0x3FFD];
	_ =	sdelay $0x3  }
0x99: {  	_ =	strace s6  }
0x9a: {  	_ =	strace $0x8FFFFFFF  }
0x9b: {  	s19 =	sld [smem:$0x3FDB];
	_ =	sdelay $0x1  }
0x9c: {  	s7 =	simm.s32 $_scs_section_size  }
0x9d: {  	s8 =	simm.s32 $_size__tile_overlayer_lowered;
	s9 =	simm.s32 $_tile_overlayer_lowered  }
0x9e: {  	s22 =	simm.s32 $0x1BFF;
	s21 =	sshll.u32 s9, $0x1;
	s6 =	sadd.s32 s7, s19  }
0x9f: {  	s10 =	simm.s32 $0x0;
	s20 =	sshll.u32 s8, $0x1;
	s8 =	sadd.s32 s21, s6  }
0xa0: {  	[timem:s10], [sflag:s22] =	dma.local [hbm:s8], s20  }
0xa1: {  	_ =	swait.ge [sflag:s22], s20  }
0xa2: {  	s7 =	ssub.s32 $0x0, s20;
	[sflag:s22] =	ssyncset.done $0x0  }
0xa3: {  	[sflag:s22] =	ssyncadd.s32 s7;
	_ =	sdelay $0x1  }
0xa4: {  	s23 =	simm.s32 $0x1B8B  }
0xa5: {  	_ =	swait.ge [sflag:s23], $0x1  }
0xa6: {  	[sflag:s23] =	ssyncset.done $0x0  }
0xa7: {  	s25 =	simm.s32 $0x1B8E;
	s24 =	sld [smem:$0x3FFE];
	[sflag:s23] =	ssyncadd.s32 $0xFFFFFFFF  }
0xa8: {  	s26 =	simm.s32 $execute0_lowered;
	[smem:$0x3FD2] =	sst s25  }
0xa9: {  	s8 =	sshll.u32 s26, $0x1;
	_ =	strace $0x80000046;
	[dreg:$0x1] =	wrdreg $0xFFFFFFFF  }
0xaa: {  	s28 =	simm.s32 $_size_execute0_lowered;
	s6 =	sadd.s32 s6, s8;
	[dreg:$0x0] =	wrdreg $0x0  }
0xab: {  	s8 =	sshll.u32 s28, $0x1;
	[dreg:$0x2] =	wrdreg s6  }
0xac: {  	[dreg:$0x3] =	wrdreg s8  }
0xad: {  	[dreg:$0x4] =	wrdreg $0xC0  }
0xae: {  	_ =	task [dreg:s10], $0x5FFFF  }
0xaf: {  	[dreg:$0x1] =	wrdreg $0xFFFFFFFF  }
0xb0: {  	[dreg:$0x0] =	wrdreg $0x60  }
0xb1: {  	[dreg:$0x2] =	wrdreg s2  }
0xb2: {  	[dreg:$0x3] =	wrdreg s18  }
0xb3: {  	[dreg:$0x4] =	wrdreg s24  }
0xb4: {  	[dreg:$0x5] =	wrdreg s4  }
0xb5: {  	[dreg:$0x6] =	wrdreg s5  }
0xb6: {  	[dreg:$0x7] =	wrdreg $0x9  }
0xb7: {  	_ =	task.clear_ibuf [dreg:s10], $0x8FFFF;
	_ =	strace $0x90000046  }
0xb8: {  	s29 =	simm.s32 $0x9;
	_ =	strace $0x80000048  }
0xb9: {  	_ =	swait.ge [sflag:s29], $0x1  }
0xba: {  	[sflag:s29] =	ssyncadd.s32 $0xFFFFFFFF  }
0xbb: {  	_ =	strace $0x90000048  }
0xbc: {  	_ =	sfence  }
0xbd: {  	s30 =	sld [smem:$0x0];
	_ =	sdelay $0x2  }
0xbe: {  	s31 =	sshll.u32 s1, $0xD;
	s1 =	sshrl.u32 s1, $0x2  }
0xbf: {  	s3 =	sand.u32 $0x4000, s31;
	s1 =	sadd.s32 s1, s30  }
0xc0: {  	s0 =	sor.u32 s3, s0;
	s1 =	sshll.u32 s1, $0x11  }
0xc1: {  	s0 =	sor.u32 s1, s0  }
0xc2: {  	s0 =	sadd.s32 $0x8F2B, s0  }
0xc3: {  	[sflag:s0] =	ssyncadd.remote.s32 $0x1  }
0xc4: {  	_ =	sfence.sel $0xFFFF  }
0xc5: {  	[dreg:$0x0] =	wrdreg $0xFFFFFFFF;
	(pc) =	sbr.abs _section_cstart, $3  }
0xc6: {  	[dreg:$0x1] =	wrdreg $0xFFFFFFFF  }
0xc7: {  	_ =	task.clear_ibuf [dreg:s10], $0x2FFFF;
	_ =	strace $0x9FFFFFFF  }
0xc8: {  	(tm) =	ssettm $0x7FFFFFFF  }
0xc9: {  	_ =	shalt  }
tec
execute0_lowered:
.L_overlay_start_1:
0x0: {  	(tag) =	ssettag $0x1  }
0x1: {  	s1 =	rddreg [dreg:$0x0]  }
0x2: {  	s2 =	rddreg [dreg:$0x1]  }
0x3: {  	s3 =	rddreg [dreg:$0x2]  }
0x4: {  	s4 =	rddreg [dreg:$0x3]  }
0x5: {  	s5 =	rddreg [dreg:$0x4]  }
0x6: {  	s0 =	rddreg [dreg:$0x5]  }
0x7: {  	s6 =	simm.s32 $0x0;
	s7 =	srdreg.scid;
	s13 =	simm.s32 $0x4  }
0x8: {  	s14 =	simm.s32 $0x80;
	s15 =	simm.s32 $0x1;
	s16 =	simm.s32 $0x180  }
0x9: {  	s17 =	simm.s32 $0x3;
	s18 =	simm.s32 $0x2;
	s19 =	simm.s32 $0x100  }
0xa: {  	s20 =	simm.s32 $0x1980;
	s21 =	simm.s32 $0x980;
	[smem:$0x7FF] =	sst s6  }
0xb: {  	s10 =	sand.u32 $0x1, s7;
	s8 =	sadd.s32 $0xA00, s3;
	s7 =	stileid.u32  }
.Ltmp0:
0xc: {  	s9 =	sadd.s32 $0x1400, s3;
	_ =	strace $0x80000047;
	(pc) =	sbr.rel .LBB2_1-.Ltmp0, $4  }
0xd: {  	s11 =	ssub.s32 $0x2, s10;
	p0 =	seq.s32 s7, $0x0;
	p1 =	seq.s32 s10, $0x1  }
0xe: {  	s31 =	sor.u32 s7, s10;
	s10 =	sadd.s32 $0x10, s5;
	s12 =	sshrl.u32 s11, $0x1  }
0xf: {  	v1 =	vlaneseq.u32;
	p0 =	por !p0, !p1;
	p1 =	sne.s32 s31, $0x0;
	s11 =	ssub.s32 s11, s12  }
0x10: {  	vm0 =	vmmov $0xffff;
	v0 =	vimm.s32 $0x0;
	v1 =	vmul.u32 $0x8, v1;
	p0 =	por !p0, !p0;
	s12 =	simm.s32 $0x1180;
	s11 =	smax.u32 s11, $0x1  }
.LBB2_8:
0x11: {  	v2 =	vmul.f32 $8.999999760e-01, v2;
	v3 =	vmul.f32 $1.000000010e-01, v3;
	_ =	sdelay $0x1  }
0x12: {  	v2 =	vadd.f32 v3, v2;
	_ =	sdelay $0x1  }
0x13: {  	[tilespmem:s22+$0x1980] =	vst v2  }
0x14: {  	[hbm4b:s10+s14] =	stream.strided.scatter [tilespmem:s20], [sflag:$0x4], $0x800, s19, s14, $0x38;
	[tilespmem:$0x2180] =	vst v63  }
0x15: {  	_ =	swait.ge [sflag:s13], $0x800  }
0x16: {  	[sflag:s13] =	ssyncset.done $0x0  }
0x17: {  	[sflag:s13] =	ssyncadd.s32 $0xFFFFF800  }
.LBB2_9:
0x18: {  	s6 =	sadd.s32 $0x1, s6  }
0x19: {  	p2 =	sne.s32 s6, s11  }
.Ltmp1:
0x1a: {  	_ = 	snop;
	(pc) =	sbr.rel @!p2 .LBB2_10-.Ltmp1, $1  }
0x1b: {  	_ =	sdelay $0x3  }
.LBB2_1:
.Ltmp2:
0x1c: {  	(pc) =	sbr.rel @p1 .LBB2_5-.Ltmp2, $1  }
0x1d: {  	_ =	sdelay $0x3  }
0x1e: {  	s22 =	simm.s32 $0x0  }
0x1f: {  	[tilespmem:s12], [sflag:$0x3] =	stream.linear.gather [hbm4b:s1+s22], $0x800, $0x38;
	[tilespmem:$0x2180] =	vst v63  }
0x20: {  	_ = 	snop  }
0x21: {  	[tilespmem:s22], [sflag:$0x4] =	stream.linear.gather [hbm4b:s2+s22], $0x80, $0x38;
	[tilespmem:$0x2180] =	vst v63  }
0x22: {  	_ =	swait.ge [sflag:s13], $0x80  }
0x23: {  	[sflag:s13] =	ssyncset.done $0x0  }
0x24: {  	[sflag:s13] =	ssyncadd.s32 $0xFFFFFF80  }
0x25: {  	v2 =	vld.msk [tilespmem:s22+$0x0], $0xffff;
	_ =	sdelay $0x7  }
0x26: {  	[tilespmem:s14], [sflag:$0x1] =	stream.indirect_vreg.gather [hbm4b:s8+s22], $0x1, v2, vm0, $0xb8;
	[tilespmem:$0x2180] =	vst v63  }
0x27: {  	_ =	swait.ge [sflag:s15], $0x10  }
0x28: {  	[sflag:s15] =	ssyncset.done $0x0  }
0x29: {  	[sflag:s15] =	ssyncadd.s32 $0xFFFFFFF0  }
0x2a: {  	v2 =	vld.msk [tilespmem:$0x80], $0x1;
	_ =	sdelay $0x4  }
0x2b: {  	v3 =	vshll.u32 v2, $0x4  }
0x2c: {  	v2 =	vand.u32 $0x7, v2;
	v3 =	vand.u32 $0xFFFFFF80, v3  }
0x2d: {  	v2 =	vor.u32 v2, v3  }
0x2e: {  	v2 =	vperm.xlane v2, v0;
	_ =	sdelay $0x1  }
0x2f: {  	v2 =	vadd.s32 v1, v2;
	_ =	sdelay $0x4  }
0x30: {  	[tilespmem:s16], [sflag:$0x2] =	stream.indirect_vreg.gather [hbm4b:s4+s22], $0x80, v2, vm0, $0xb8;
	[tilespmem:$0x2180] =	vst v63  }
0x31: {  	_ =	swait.ge [sflag:s17], $0x800  }
0x32: {  	[sflag:s17] =	ssyncset.done $0x0  }
0x33: {  	[sflag:s17] =	ssyncadd.s32 $0xFFFFF800  }
0x34: {  	_ =	swait.ge [sflag:s18], $0x800  }
0x35: {  	[sflag:s18] =	ssyncset.done $0x0  }
0x36: {  	s22 =	simm.s32 $0x0;
	[sflag:s18] =	ssyncadd.s32 $0xFFFFF800  }
0x37: {  	v2 =	vld [tilespmem:s22+$0x1180]  }
0x38: {  	v3 =	vld [tilespmem:s22+$0x180];
	_ =	sdelay $0x2  }
0x39: {  	s23 =	simm.s32 $0x40  }
.LBB2_3:
0x3a: {  	s24 =	sshra.s32 s23, $0x2;
	p2 =	sne.s32 s23, $0x1FC0  }
.Ltmp3:
0x3b: {  	s23 =	sadd.s32 $0x40, s23;
	v4 =	vmul.f32 $8.999999760e-01, v2;
	v2 =	vld [tilespmem:s24+$0x1180];
	v5 =	vmul.f32 $1.000000010e-01, v3;
	(pc) =	sbr.rel @p2 .LBB2_3-.Ltmp3, $3  }
0x3c: {  	v3 =	vld [tilespmem:s24+$0x180]  }
0x3d: {  	v4 =	vadd.f32 v5, v4;
	_ =	sdelay $0x1  }
0x3e: {  	[tilespmem:s22+$0x1980] =	vst v4;
	s22 =	smov.u32 s24  }
0x3f: {  	_ = 	snop  }
0x40: {  	v2 =	vmul.f32 $8.999999760e-01, v2;
	v3 =	vmul.f32 $1.000000010e-01, v3;
	_ =	sdelay $0x1  }
0x41: {  	v2 =	vadd.f32 v3, v2;
	_ =	sdelay $0x1  }
0x42: {  	[tilespmem:s22+$0x1980] =	vst v2  }
0x43: {  	[hbm4b:s5+s14] =	stream.strided.scatter [tilespmem:s20], [sflag:$0x4], $0x800, s19, s14, $0x38;
	[tilespmem:$0x2180] =	vst v63  }
0x44: {  	_ =	swait.ge [sflag:s13], $0x800  }
0x45: {  	[sflag:s13] =	ssyncset.done $0x0  }
0x46: {  	[sflag:s13] =	ssyncadd.s32 $0xFFFFF800  }
.LBB2_5:
.Ltmp4:
0x47: {  	(pc) =	sbr.rel @!p0 .LBB2_9-.Ltmp4, $1  }
0x48: {  	_ =	sdelay $0x3  }
0x49: {  	s22 =	simm.s32 $0x0  }
0x4a: {  	[tilespmem:s22], [sflag:$0x4] =	stream.linear.gather [hbm4b:s2+s22], $0x80, $0x38;
	[tilespmem:$0x2180] =	vst v63  }
0x4b: {  	_ =	swait.ge [sflag:s13], $0x80  }
0x4c: {  	[sflag:s13] =	ssyncset.done $0x0  }
0x4d: {  	[sflag:s13] =	ssyncadd.s32 $0xFFFFFF80  }
0x4e: {  	v2 =	vld.msk [tilespmem:s22+$0x0], $0xffff;
	_ =	sdelay $0x7  }
0x4f: {  	[tilespmem:s14], [sflag:$0x1] =	stream.indirect_vreg.gather [hbm4b:s9+s22], $0x1, v2, vm0, $0xb8;
	[tilespmem:$0x2180] =	vst v63  }
0x50: {  	_ =	swait.ge [sflag:s15], $0x10  }
0x51: {  	[sflag:s15] =	ssyncset.done $0x0  }
0x52: {  	[sflag:s15] =	ssyncadd.s32 $0xFFFFFFF0  }
0x53: {  	v2 =	vld.msk [tilespmem:$0x80], $0x1;
	_ =	sdelay $0x4  }
0x54: {  	v3 =	vshll.u32 v2, $0x4  }
0x55: {  	v2 =	vand.u32 $0x7, v2;
	v3 =	vand.u32 $0xFFFFFF80, v3  }
0x56: {  	v2 =	vor.u32 v2, v3  }
0x57: {  	v2 =	vperm.xlane v2, v0;
	_ =	sdelay $0x1  }
0x58: {  	v2 =	vadd.s32 v1, v2;
	_ =	sdelay $0x4  }
0x59: {  	[tilespmem:s16], [sflag:$0x2] =	stream.indirect_vreg.gather [hbm4b:s4+s22], $0x80, v2, vm0, $0xb8;
	[tilespmem:$0x2180] =	vst v63  }
0x5a: {  	v2 =	vld [tilespmem:$0x80];
	_ =	sdelay $0x7  }
0x5b: {  	[tilespmem:s19], [sflag:$0x1] =	stream.indirect_vreg.gather [hbm4b:s3+s22], $0x1, v2, vm0, $0xb8;
	[tilespmem:$0x2180] =	vst v63  }
0x5c: {  	_ =	swait.ge [sflag:s15], $0x10  }
0x5d: {  	[sflag:s15] =	ssyncset.done $0x0  }
0x5e: {  	[sflag:s15] =	ssyncadd.s32 $0xFFFFFFF0  }
0x5f: {  	v2 =	vld.msk [tilespmem:$0x100], $0x1;
	_ =	sdelay $0x4  }
0x60: {  	v3 =	vshll.u32 v2, $0x4  }
0x61: {  	v2 =	vand.u32 $0x7, v2;
	v3 =	vand.u32 $0xFFFFFF80, v3  }
0x62: {  	v2 =	vor.u32 v2, v3  }
0x63: {  	v2 =	vperm.xlane v2, v0;
	_ =	sdelay $0x1  }
0x64: {  	v2 =	vadd.s32 v1, v2;
	_ =	sdelay $0x4  }
0x65: {  	[tilespmem:s21], [sflag:$0x3] =	stream.indirect_vreg.gather [hbm4b:s4+s22], $0x80, v2, vm0, $0xb8;
	[tilespmem:$0x2180] =	vst v63  }
0x66: {  	_ =	swait.ge [sflag:s18], $0x800  }
0x67: {  	[sflag:s18] =	ssyncset.done $0x0  }
0x68: {  	[sflag:s18] =	ssyncadd.s32 $0xFFFFF800  }
0x69: {  	_ =	swait.ge [sflag:s17], $0x800  }
0x6a: {  	[sflag:s17] =	ssyncset.done $0x0  }
0x6b: {  	s22 =	simm.s32 $0x0;
	[sflag:s17] =	ssyncadd.s32 $0xFFFFF800  }
0x6c: {  	v2 =	vld [tilespmem:s22+$0x180]  }
0x6d: {  	v3 =	vld [tilespmem:s22+$0x980];
	_ =	sdelay $0x2  }
0x6e: {  	s23 =	simm.s32 $0x40  }
.LBB2_7:
0x6f: {  	s24 =	sshra.s32 s23, $0x2;
	p2 =	sne.s32 s23, $0x1FC0;
	v4 =	vmul.f32 $8.999999760e-01, v2  }
.Ltmp5:
0x70: {  	s23 =	sadd.s32 $0x40, s23;
	v5 =	vmul.f32 $1.000000010e-01, v3;
	v2 =	vld [tilespmem:s24+$0x180];
	(pc) =	sbr.rel @p2 .LBB2_7-.Ltmp5, $3  }
0x71: {  	v3 =	vld [tilespmem:s24+$0x980]  }
0x72: {  	v4 =	vadd.f32 v5, v4;
	_ =	sdelay $0x1  }
0x73: {  	[tilespmem:s22+$0x1980] =	vst v4;
	s22 =	smov.u32 s24  }
.Ltmp6:
0x74: {  	_ = 	snop;
	(pc) =	sbr.rel .LBB2_8-.Ltmp6, $1  }
0x75: {  	_ =	sdelay $0x3  }
.LBB2_10:
0x76: {  	_ =	sfence.sel $0x180000  }
0x77: {  	[bflag:$0x0] =	sbarrier.arrive $0xFFFF  }
0x78: {  	p0 =	sne.s32 s7, $0x0;
	_ =	strace $0x90000047  }
0x79: {  	s0 =	sadd.s32 @!p0 $0x100000, s0;
	[bflag:$0x2] =	sbarrier.arrive $0xFFFF  }
0x7a: {  	[sflag:s0] =	ssyncadd.tile.s32 @!p0 $0x1;
	_ =	shalt  }
.Lfunc_end2:
_tile_overlayer_lowered:
.L_overlay_start_2:
0x7b: {  	(tag) =	ssettag $0x2  }
0x7c: {  	s0 =	rddreg [dreg:$0x0];
	s2 =	stileid.u32  }
0x7d: {  	s1 =	rddreg [dreg:$0x1];
	p0 =	sne.s32 s2, $0x0  }
0x7e: {  	s3 =	rddreg [dreg:$0x2];
	[bflag:$0x3] =	sbarrier.arrive $0xFFFF;
	s2 =	simm.s32 @!p0 $0x1C04  }
0x7f: {  	[timem:s3], [sflag:s2] =	dma.local @!p0 [hbm:s0], s1  }
0x80: {  	s0 =	simm.s32 @!p0 $0x4  }
0x81: {  	_ =	swait.ge @!p0 [sflag:s0], s1  }
0x82: {  	s1 =	ssub.s32 @!p0 $0x0, s1;
	[sflag:s0] =	ssyncset.done @!p0 $0x0  }
0x83: {  	[sflag:s0] =	ssyncadd.s32 @!p0 s1  }
0x84: {  	[bflag:$0x3] =	sbarrier.arrive $0xFFFF  }
0x85: {  	_ =	shalt  }

</sc_bundles>
